<compile_context>
chip_gen: v7x
topology: tpu7x:2x2x1
jax: 0.10.2.dev20260603
libtpu: 0.0.44.dev20260713+nightly
codegen_flags: <defaults>
</compile_context>

<pallas_src>
import jax
import jax.numpy as jnp
from jax import lax
from jax.experimental import pallas as pl
from jax.experimental.pallas import tpu as pltpu
from jax.experimental.pallas import tpu_sc as plsc

B = 4
M = 16384
N = 16384
NNZ = 262144
W_PRIMAL, W_DUAL, W_STAT, W_COMP = 0.1, 0.1, 0.6, 0.2

NC = 2
NS = 16
L = 16
W_PER_P = 8
NNZ_W = NNZ // W_PER_P
CHUNK = 4096
NCHUNKS = NNZ_W // CHUNK
RED = M // W_PER_P

_mesh = plsc.VectorSubcoreMesh(core_axis_name="c", subcore_axis_name="s",
                               num_cores=NC, num_subcores=NS)

_KERNEL_KWARGS = dict(
    out_type=jax.ShapeDtypeStruct((NC, NS, 4, L), jnp.float32),
    mesh=_mesh,
    compiler_params=pltpu.CompilerParams(needs_layout_passes=False),
    scratch_types=[
        pltpu.VMEM((N,), jnp.float32),
        pltpu.VMEM((M,), jnp.float32),
        pltpu.VMEM((M,), jnp.float32),
        pltpu.VMEM((N,), jnp.float32),
        pltpu.VMEM((CHUNK,), jnp.int32),
        pltpu.VMEM((CHUNK,), jnp.int32),
        pltpu.VMEM((CHUNK,), jnp.float32),
        pltpu.VMEM((CHUNK,), jnp.int32),
        pltpu.VMEM((CHUNK,), jnp.int32),
        pltpu.VMEM((CHUNK,), jnp.float32),
        pltpu.VMEM((4, L), jnp.float32),
        pltpu.VMEM_SHARED((NS, M), jnp.float32),
        pltpu.VMEM_SHARED((NS, N), jnp.float32),
        pltpu.SemaphoreType.DMA,
        pltpu.SemaphoreType.DMA,
        pltpu.SemaphoreType.DMA,
        pltpu.SemaphoreType.DMA,
        pltpu.SemaphoreType.DMA,
        pltpu.SemaphoreType.DMA,
        pltpu.SemaphoreType.DMA,
        pltpu.SemaphoreType.DMA,
    ],
)


def _kkt_sc_body(x_hbm, lam_hbm, rows_hbm, cols_hbm, vals_hbm, b_hbm, c_hbm,
                 out_hbm, x_v, lam_v, ax_v, at_v,
                 rows0, cols0, vals0, rows1, cols1, vals1,
                 out_v, sh_ax, sh_at,
                 sem_r0, sem_c0, sem_v0, sem_r1, sem_c1, sem_v1,
                 sem_x, sem_l):
    c = lax.axis_index("c")
    s = lax.axis_index("s")
    p = c * (B // NC) + s // W_PER_P
    sl = s % W_PER_P

    DIAG = False
    zeros = jnp.zeros((L,), jnp.float32)
    if not DIAG:
        out_v[0] = zeros
        out_v[1] = zeros
        out_v[2] = zeros
        out_v[3] = zeros
        pltpu.sync_copy(out_v, out_hbm.at[c, s])
        return
    dx = pltpu.async_copy(x_hbm.at[pl.ds(p * N, N)], x_v, sem_x)
    dl = pltpu.async_copy(lam_hbm.at[pl.ds(p * M, M)], lam_v, sem_l)

    zeros = jnp.zeros((L,), jnp.float32)

    @plsc.parallel_loop(0, M // L, unroll=8)
    def _zero(i):
        ax_v[pl.ds(i * L, L)] = zeros
        at_v[pl.ds(i * L, L)] = zeros

    dx.wait()
    dl.wait()

    bufs = ((rows0, cols0, vals0, sem_r0, sem_c0, sem_v0),
            (rows1, cols1, vals1, sem_r1, sem_c1, sem_v1))
    nnz_base = sl * NNZ_W

    def start_chunk(k):
        r, cl, v, sr, sc_, sv = bufs[k % 2]
        off = nnz_base + k * CHUNK
        return (pltpu.async_copy(rows_hbm.at[p, pl.ds(off, CHUNK)], r, sr),
                pltpu.async_copy(cols_hbm.at[p, pl.ds(off, CHUNK)], cl, sc_),
                pltpu.async_copy(vals_hbm.at[p, pl.ds(off, CHUNK)], v, sv))

    pending = start_chunk(0)
    for k in range(NCHUNKS):
        for d in pending:
            d.wait()
        if k + 1 < NCHUNKS:
            pending = start_chunk(k + 1)
        r, cl, v = bufs[k % 2][:3]

        @plsc.parallel_loop(0, CHUNK // L, unroll=8)
        def _spmm(j):
            rows = r[pl.ds(j * L, L)]
            cols = cl[pl.ds(j * L, L)]
            vals = v[pl.ds(j * L, L)]
            gx = plsc.load_gather(x_v, [cols])
            plsc.addupdate_scatter(ax_v, [rows], vals * gx)
            gl = plsc.load_gather(lam_v, [rows])
            plsc.addupdate_scatter(at_v, [cols], vals * gl)

    pltpu.sync_copy(ax_v, sh_ax.at[s])
    pltpu.sync_copy(at_v, sh_at.at[s])
    plsc.subcore_barrier()

    row0 = (s // W_PER_P) * W_PER_P
    mbase = sl * RED
    for j in range(W_PER_P):
        pltpu.sync_copy(sh_ax.at[row0 + j, pl.ds(mbase, RED)],
                        ax_v.at[pl.ds(j * RED, RED)])
        pltpu.sync_copy(sh_at.at[row0 + j, pl.ds(mbase, RED)],
                        at_v.at[pl.ds(j * RED, RED)])
    pltpu.sync_copy(b_hbm.at[p, pl.ds(mbase, RED)], vals0.at[pl.ds(0, RED)])
    pltpu.sync_copy(c_hbm.at[p, pl.ds(mbase, RED)], vals0.at[pl.ds(RED, RED)])

    carry0 = (zeros, zeros, zeros, zeros)

    @plsc.parallel_loop(0, RED // L, unroll=2, carry=carry0)
    def _red(i, carry):
        vp, vd, vs_, vc = carry
        ax = ax_v[pl.ds(i * L, L)]
        at = at_v[pl.ds(i * L, L)]
        for j in range(1, W_PER_P):
            ax = ax + ax_v[pl.ds(j * RED + i * L, L)]
            at = at + at_v[pl.ds(j * RED + i * L, L)]
        amb = ax - vals0[pl.ds(i * L, L)]
        lamv = lam_v[pl.ds(mbase + i * L, L)]
        rp = jnp.maximum(amb, 0.0)
        rd = jnp.maximum(-lamv, 0.0)
        st = at + vals0[pl.ds(RED + i * L, L)]
        cm = lamv * amb
        return (vp + rp * rp, vd + rd * rd, vs_ + st * st, vc + cm * cm)

    vp, vd, vs_, vc = _red
    out_v[0] = vp
    out_v[1] = vd
    out_v[2] = vs_
    out_v[3] = vc
    pltpu.sync_copy(out_v, out_hbm.at[c, s])


_kkt_sc = pl.kernel(_kkt_sc_body, **_KERNEL_KWARGS)


def kernel(x_hat, lam_hat, A_rows, A_cols, A_vals, b_pad, c_pad, b_mask, c_mask):
    del b_mask, c_mask
    parts = _kkt_sc(x_hat, lam_hat, A_rows, A_cols, A_vals, b_pad, c_pad)
    sums = jnp.sum(parts, axis=(0, 1, 3))
    inv_B = 1.0 / B
    return (W_PRIMAL * (sums[0] / M) * inv_B
            + W_DUAL * (sums[1] / M) * inv_B
            + W_STAT * (sums[2] / N) * inv_B
            + W_COMP * (sums[3] / M) * inv_B)

# --- scband reference (transcript-rebuilt; emitter-appended) ---
"""Pipeline reference for scband-kktloss-33122787787141 (READ-ONLY COPY).

The authoritative reference and input builder live on the scoring server;
editing this copy changes nothing except your own understanding.
"""

import jax, jax.numpy as jnp
import numpy as np

B = 4
M = 16384
N = 16384
NNZ = 262144
W_PRIMAL, W_DUAL, W_STAT, W_COMP = 0.1, 0.1, 0.6, 0.2


def setup_inputs(seed: int = 0) -> dict:
    key = jax.random.key(seed)
    ks = jax.random.split(key, 8)
    return {
        "x_hat": jax.random.normal(ks[0], (B * N,), dtype=jnp.float32),
        "lam_hat": jax.random.normal(ks[1], (B * M,), dtype=jnp.float32),
        "A_rows": jax.random.randint(ks[2], (B, NNZ), 0, M),
        "A_cols": jax.random.randint(ks[3], (B, NNZ), 0, N),
        "A_vals": jax.random.normal(ks[4], (B, NNZ), dtype=jnp.float32),
        "b_pad": jax.random.normal(ks[5], (B, M), dtype=jnp.float32),
        "c_pad": jax.random.normal(ks[6], (B, N), dtype=jnp.float32),
        "b_mask": jnp.ones((B, M), dtype=bool),
        "c_mask": jnp.ones((B, N), dtype=bool),
    }


def reference(x_hat, lam_hat, A_rows, A_cols, A_vals, b_pad, c_pad, b_mask, c_mask):
    # Faithful port of KKTLoss.forward with B uniform problems of size (M, N).
    # Sparse A_i is given in COO form; spmm is a gather + scatter-add in fp32.
    loss_primal = jnp.zeros((), jnp.float32)
    loss_dual = jnp.zeros((), jnp.float32)
    loss_stat = jnp.zeros((), jnp.float32)
    loss_comp = jnp.zeros((), jnp.float32)
    for i in range(B):
        x_i = x_hat[i * N:(i + 1) * N]
        lam_i = lam_hat[i * M:(i + 1) * M]
        rows = A_rows[i]
        cols = A_cols[i]
        vals = A_vals[i].astype(jnp.float32)
        # A_i @ x_i  (scatter-add over rows)
        Ax = jnp.zeros((M,), jnp.float32).at[rows].add(vals * x_i.astype(jnp.float32)[cols])
        Ax_minus_b = Ax - b_pad[i].astype(jnp.float32)
        # A_i.T @ lam_i  (scatter-add over cols)
        At_lam = jnp.zeros((N,), jnp.float32).at[cols].add(vals * lam_i.astype(jnp.float32)[rows])
        primal = jnp.mean(jnp.square(jax.nn.relu(Ax_minus_b)))
        dual = jnp.mean(jnp.square(jax.nn.relu(-lam_i)))
        station = jnp.mean(jnp.square(At_lam + c_pad[i].astype(jnp.float32)))
        compl = jnp.mean(jnp.square(lam_i * Ax_minus_b))
        loss_primal = loss_primal + primal
        loss_dual = loss_dual + dual
        loss_stat = loss_stat + station
        loss_comp = loss_comp + compl
    inv_B = 1.0 / B
    total = (W_PRIMAL * loss_primal * inv_B + W_DUAL * loss_dual * inv_B
             + W_STAT * loss_stat * inv_B + W_COMP * loss_comp * inv_B)
    return total

if __name__ == "__main__":
    import jax
    _d = setup_inputs()
    print(jax.jit(kernel)(*tuple(_d.values())))

</pallas_src>

<mosaic_0001>
#map = affine_map<(d0, d1) -> (0)>
#map1 = affine_map<(d0, d1) -> (0, 0)>
#map2 = affine_map<(d0, d1) -> (0, 0, 0, 0)>
module attributes {stable_mosaic.version = 14 : i64} {
  func.func @_kkt_sc_body(%arg0: i32, %arg1: i32, %arg2: memref<65536xf32, #tpu.memory_space<hbm>>, %arg3: memref<65536xf32, #tpu.memory_space<hbm>>, %arg4: memref<4x262144xi32, #tpu.memory_space<hbm>>, %arg5: memref<4x262144xi32, #tpu.memory_space<hbm>>, %arg6: memref<4x262144xf32, #tpu.memory_space<hbm>>, %arg7: memref<4x16384xf32, #tpu.memory_space<hbm>>, %arg8: memref<4x16384xf32, #tpu.memory_space<hbm>>, %arg9: memref<2x16x4x16xf32, #tpu.memory_space<hbm>>, %arg10: memref<16384xf32, #tpu.memory_space<vmem>>, %arg11: memref<16384xf32, #tpu.memory_space<vmem>>, %arg12: memref<16384xf32, #tpu.memory_space<vmem>>, %arg13: memref<16384xf32, #tpu.memory_space<vmem>>, %arg14: memref<4096xi32, #tpu.memory_space<vmem>>, %arg15: memref<4096xi32, #tpu.memory_space<vmem>>, %arg16: memref<4096xf32, #tpu.memory_space<vmem>>, %arg17: memref<4096xi32, #tpu.memory_space<vmem>>, %arg18: memref<4096xi32, #tpu.memory_space<vmem>>, %arg19: memref<4096xf32, #tpu.memory_space<vmem>>, %arg20: memref<4x16xf32, #tpu.memory_space<vmem>>, %arg21: memref<16x16384xf32, #tpu.memory_space<vmem_shared>>, %arg22: memref<16x16384xf32, #tpu.memory_space<vmem_shared>>, %arg23: memref<!tpu.dma_semaphore, #tpu.memory_space<semaphore_mem>>, %arg24: memref<!tpu.dma_semaphore, #tpu.memory_space<semaphore_mem>>, %arg25: memref<!tpu.dma_semaphore, #tpu.memory_space<semaphore_mem>>, %arg26: memref<!tpu.dma_semaphore, #tpu.memory_space<semaphore_mem>>, %arg27: memref<!tpu.dma_semaphore, #tpu.memory_space<semaphore_mem>>, %arg28: memref<!tpu.dma_semaphore, #tpu.memory_space<semaphore_mem>>, %arg29: memref<!tpu.dma_semaphore, #tpu.memory_space<semaphore_mem>>, %arg30: memref<!tpu.dma_semaphore, #tpu.memory_space<semaphore_mem>>) attributes {dimension_semantics = [#tpu.dimension_semantics<core_parallel>, #tpu.dimension_semantics<subcore_parallel>], iteration_bounds = array<i64: 2, 16>, scalar_prefetch = 0 : i64, scratch_operands = 21 : i64, tpu.core_type = #tpu.core_type<sc_vector_subcore>, window_params = [{transform_indices = #map}, {transform_indices = #map}, {transform_indices = #map1}, {transform_indices = #map1}, {transform_indices = #map1}, {transform_indices = #map1}, {transform_indices = #map1}, {transform_indices = #map2}]} {
    %mul3A = arith.constant 2 : i32
    %mul3A_0 = arith.muli %arg0, %mul3A : i32
    %jit3A = arith.constant 8 : i32
    %div3A = arith.divsi %arg1, %jit3A : i32
    %sign3A = arith.constant 0 : i32
    %sign3A_1 = arith.cmpi sgt, %arg1, %sign3A : i32
    %sign3A_2 = arith.extui %sign3A_1 : i1 to i32
    %sign3A_3 = arith.constant 0 : i32
    %sign3A_4 = arith.cmpi slt, %arg1, %sign3A_3 : i32
    %sign3A_5 = arith.extui %sign3A_4 : i1 to i32
    %sign3A_6 = arith.subi %sign3A_2, %sign3A_5 : i32
    %sign3A_7 = arith.constant 0 : i32
    %sign3A_8 = arith.cmpi sgt, %jit3A, %sign3A_7 : i32
    %sign3A_9 = arith.extui %sign3A_8 : i1 to i32
    %sign3A_10 = arith.constant 0 : i32
    %sign3A_11 = arith.cmpi slt, %jit3A, %sign3A_10 : i32
    %sign3A_12 = arith.extui %sign3A_11 : i1 to i32
    %sign3A_13 = arith.subi %sign3A_9, %sign3A_12 : i32
    %ne3A = arith.cmpi ne, %sign3A_6, %sign3A_13 : i32
    %rem3A = arith.remsi %arg1, %jit3A : i32
    %ne3A_14 = arith.constant 0 : i32
    %ne3A_15 = arith.cmpi ne, %rem3A, %ne3A_14 : i32
    %and3A = arith.andi %ne3A, %ne3A_15 : i1
    %sub3A = arith.constant 1 : i32
    %sub3A_16 = arith.subi %div3A, %sub3A : i32
    %select_n3A = arith.select %and3A, %sub3A_16, %div3A : i32
    %add3A = arith.addi %mul3A_0, %select_n3A : i32
    %jit3A_17 = arith.constant 8 : i32
    %eq3A = arith.constant 0 : i32
    %eq3A_18 = arith.cmpi eq, %jit3A_17, %eq3A : i32
    %jit3A_19 = arith.constant 1 : i32
    %select_n3A_20 = arith.select %eq3A_18, %jit3A_19, %jit3A_17 : i32
    %rem3A_21 = arith.remsi %arg1, %select_n3A_20 : i32
    %ne3A_22 = arith.constant 0 : i32
    %ne3A_23 = arith.cmpi ne, %rem3A_21, %ne3A_22 : i32
    %lt3A = arith.constant 0 : i32
    %lt3A_24 = arith.cmpi slt, %rem3A_21, %lt3A : i32
    %lt3A_25 = arith.constant 0 : i32
    %lt3A_26 = arith.cmpi slt, %select_n3A_20, %lt3A_25 : i32
    %ne3A_27 = arith.xori %lt3A_24, %lt3A_26 : i1
    %and3A_28 = arith.andi %ne3A_27, %ne3A_23 : i1
    %add3A_29 = arith.addi %rem3A_21, %select_n3A_20 : i32
    %select_n3A_30 = arith.select %and3A_28, %add3A_29, %rem3A_21 : i32
    %broadcast_in_dim3A = arith.constant 0.000000e+00 : f32
    %broadcast_in_dim3A_31 = vector.broadcast %broadcast_in_dim3A : f32 to vector<16xf32>
    %swap3A = arith.constant 0 : i32
    %swap3A_32 = arith.index_cast %swap3A : i32 to index
    %swap3A_33 = arith.constant 0 : index
    %swap3A_34 = tpu.vector_load %arg20[%swap3A_32, %swap3A_33] {strides = array<i32>} : memref<4x16xf32, #tpu.memory_space<vmem>>, vector<16xf32>,
    tpu.vector_store %arg20[%swap3A_32, %swap3A_33], %broadcast_in_dim3A_31 {strides = array<i32>} : memref<4x16xf32, #tpu.memory_space<vmem>>, vector<16xf32>,
    %swap3A_35 = arith.constant 1 : i32
    %swap3A_36 = arith.index_cast %swap3A_35 : i32 to index
    %swap3A_37 = arith.constant 0 : index
    %swap3A_38 = tpu.vector_load %arg20[%swap3A_36, %swap3A_37] {strides = array<i32>} : memref<4x16xf32, #tpu.memory_space<vmem>>, vector<16xf32>,
    tpu.vector_store %arg20[%swap3A_36, %swap3A_37], %broadcast_in_dim3A_31 {strides = array<i32>} : memref<4x16xf32, #tpu.memory_space<vmem>>, vector<16xf32>,
    %swap3A_39 = arith.constant 2 : i32
    %swap3A_40 = arith.index_cast %swap3A_39 : i32 to index
    %swap3A_41 = arith.constant 0 : index
    %swap3A_42 = tpu.vector_load %arg20[%swap3A_40, %swap3A_41] {strides = array<i32>} : memref<4x16xf32, #tpu.memory_space<vmem>>, vector<16xf32>,
    tpu.vector_store %arg20[%swap3A_40, %swap3A_41], %broadcast_in_dim3A_31 {strides = array<i32>} : memref<4x16xf32, #tpu.memory_space<vmem>>, vector<16xf32>,
    %swap3A_43 = arith.constant 3 : i32
    %swap3A_44 = arith.index_cast %swap3A_43 : i32 to index
    %swap3A_45 = arith.constant 0 : index
    %swap3A_46 = tpu.vector_load %arg20[%swap3A_44, %swap3A_45] {strides = array<i32>} : memref<4x16xf32, #tpu.memory_space<vmem>>, vector<16xf32>,
    tpu.vector_store %arg20[%swap3A_44, %swap3A_45], %broadcast_in_dim3A_31 {strides = array<i32>} : memref<4x16xf32, #tpu.memory_space<vmem>>, vector<16xf32>,
    "tpu.region"() ({
      %run_scoped3A = tpu.sem_alloc : memref<!tpu.dma_semaphore, #tpu.memory_space<semaphore_mem>>
      %dma_start3A = arith.constant 0 : i32
      %dma_start3A_47 = arith.constant 0 : i32
      %dma_start3A_48 = tpu.memref_slice %arg9[%arg0, %arg1, %dma_start3A, %dma_start3A_47] : memref<2x16x4x16xf32, #tpu.memory_space<hbm>> -> memref<1x1x4x16xf32, #tpu.memory_space<hbm>>
      %dma_start3A_49 = tpu.memref_squeeze %dma_start3A_48 : memref<1x1x4x16xf32, #tpu.memory_space<hbm>> -> memref<4x16xf32, #tpu.memory_space<hbm>>
      %dma_start3A_50 = arith.constant 0 : i32
      %dma_start3A_51 = arith.constant 0 : i32
      %dma_start3A_52 = tpu.memref_slice %arg9[%arg0, %arg1, %dma_start3A_50, %dma_start3A_51] : memref<2x16x4x16xf32, #tpu.memory_space<hbm>> -> memref<1x1x4x16xf32, #tpu.memory_space<hbm>>
      %dma_start3A_53 = tpu.memref_squeeze %dma_start3A_52 : memref<1x1x4x16xf32, #tpu.memory_space<hbm>> -> memref<4x16xf32, #tpu.memory_space<hbm>>
      tpu.enqueue_dma source(%arg20 : memref<4x16xf32, #tpu.memory_space<vmem>>) target(%dma_start3A_53 : memref<4x16xf32, #tpu.memory_space<hbm>>) target_semaphore(%run_scoped3A : memref<!tpu.dma_semaphore, #tpu.memory_space<semaphore_mem>>)
      %dma_wait3A = arith.constant 0 : i32
      %dma_wait3A_54 = arith.constant 0 : i32
      %dma_wait3A_55 = tpu.memref_slice %arg9[%arg0, %arg1, %dma_wait3A, %dma_wait3A_54] : memref<2x16x4x16xf32, #tpu.memory_space<hbm>> -> memref<1x1x4x16xf32, #tpu.memory_space<hbm>>
      %dma_wait3A_56 = tpu.memref_squeeze %dma_wait3A_55 : memref<1x1x4x16xf32, #tpu.memory_space<hbm>> -> memref<4x16xf32, #tpu.memory_space<hbm>>
      %dma_wait3A_57 = arith.constant 0 : i32
      %dma_wait3A_58 = arith.constant 0 : i32
      %dma_wait3A_59 = tpu.memref_slice %arg9[%arg0, %arg1, %dma_wait3A_57, %dma_wait3A_58] : memref<2x16x4x16xf32, #tpu.memory_space<hbm>> -> memref<1x1x4x16xf32, #tpu.memory_space<hbm>>
      %dma_wait3A_60 = tpu.memref_squeeze %dma_wait3A_59 : memref<1x1x4x16xf32, #tpu.memory_space<hbm>> -> memref<4x16xf32, #tpu.memory_space<hbm>>
      tpu.wait_dma2 semaphore(%run_scoped3A : memref<!tpu.dma_semaphore, #tpu.memory_space<semaphore_mem>>) src(%arg20 : memref<4x16xf32, #tpu.memory_space<vmem>>) dst(%dma_wait3A_60 : memref<4x16xf32, #tpu.memory_space<hbm>>)
      tpu.yield
    }) : () -> ()
    return
  }
}

</mosaic_0001>

<sc_bundles>
// kernel: kernel.3.cloned.1.call-start
scs
__scs_entry_jumppad:
0x0: {  	(pc) =	sbr.rel $0x88, $3  }
0x1: {  	(tag) =	ssettag $0x0;
	lr =	simm.s32 $0x1  }
0x2: {  	[smem:$0x3F9A] =	sst lr;
	_ =	strace $0xD0000000  }
0x3: {  	_ = 	snop  }
0x4: {  	_ = 	snop  }
0x5: {  	_ = 	snop  }
0x6: {  	_ = 	snop  }
0x7: {  	_ = 	snop  }
__scs_overlays_trampoline_lowered:
0x8: {  	[smem:$0x3FA9] =	sst s0  }
0x9: {  	[smem:$0x3FAA] =	sst s1  }
0xa: {  	[smem:$0x3FAB] =	sst s2  }
0xb: {  	[smem:$0x3FAC] =	sst s3  }
0xc: {  	[smem:$0x3FAD] =	sst s4  }
0xd: {  	[smem:$0x3FAE] =	sst s5  }
0xe: {  	[smem:$0x3FAF] =	sst s6  }
0xf: {  	[smem:$0x3FB0] =	sst s7  }
0x10: {  	[smem:$0x3FB1] =	sst s8  }
0x11: {  	[smem:$0x3FB2] =	sst s9;
	s0 =	simm.s32 @!p0 $0x0  }
0x12: {  	s1 =	sld [smem:$0x3F98];
	s0 =	simm.s32 @p0 $0x1  }
0x13: {  	[smem:$0x3FB3] =	sst s0;
	s0 =	simm.s32 @!p1 $0x0  }
0x14: {  	s2 =	sld [smem:$0x3F97];
	s0 =	simm.s32 @p1 $0x1  }
0x15: {  	[smem:$0x3FB4] =	sst s0;
	s0 =	simm.s32 @!p2 $0x0  }
0x16: {  	s3 =	sld [smem:$0x3FDB];
	s0 =	simm.s32 @p2 $0x1  }
0x17: {  	s4 =	simm.s32 $0x1BF5;
	[smem:$0x3FB6] =	sst s0  }
0x18: {  	s0 =	sld [smem:$0x3F99];
	_ =	swait.ge [sflag:s4], $0x0  }
0x19: {  	s7 =	sld [smem:$0x3F9A]  }
0x1a: {  	s8 =	sadd.s32 $0xFFFFE003, lr  }
0x1b: {  	s9 =	sadd.s32 $0xFFFFFEF7, lr;
	s5 =	simm.s32 $0xFFFFFFFF;
	p2 =	slt.u32 s8, $0xFFFFF086  }
0x1c: {  	p1 =	slt.u32 s9, $0xF7A;
	s5 =	simm.s32 @!p2 $0x0  }
0x1d: {  	s5 =	simm.s32 @p1 $0x1;
	p0 =	seq.s32 s7, s2  }
0x1e: {  	s7 =	smul.u32 @!p0 $0xF7A, s2;
	p2 =	seq.s32 @!p0 s5, $0x0  }
0x1f: {  	s9 =	smul.u32 $0xF7A, s1;
	s8 =	simm.s32 @!p0 $0x1BF5;
	p2 =	por !p2, p0  }
0x20: {  	[sflag:s8] =	ssyncset.s32 @!p0 $0xFFFFF086;
	s6 =	sadd.s32 @!p0 s3, s7;
	s7 =	simm.s32 @!p0 $0x108  }
0x21: {  	s3 =	sadd.s32 s3, s9;
	s6 =	sadd.s32 @!p0 $0x88, s6;
	s7 =	simm.s32 @p2 $0x1082  }
0x22: {  	[simem:s7], [sflag:s8] =	dma.local @!p0 [hbm:s6], $0xF7A  }
0x23: {  	s9 =	sor.u32 $0xD0000000, s2;
	s6 =	simm.s32 $0x108;
	_ =	swait.ge @!p0 [sflag:s8], $0x0  }
0x24: {  	s3 =	sadd.s32 $0x88, s3;
	s6 =	simm.s32 @!p1 $0x1082;
	[sflag:s4] =	ssyncset.s32 $0xFFFFF086  }
0x25: {  	[simem:s6], [sflag:s4] =	dma.local [hbm:s3], $0xF7A  }
0x26: {  	[smem:$0x3F9A] =	sst s1;
	(tag) =	ssettag s2;
	_ =	strace s9  }
0x27: {  	s1 =	sld [smem:$0x3FAA]  }
0x28: {  	s2 =	sld [smem:$0x3FAB]  }
0x29: {  	s4 =	sld [smem:$0x3FAD]  }
0x2a: {  	p0 =	seq.s32 s5, $0x0;
	s5 =	sld [smem:$0x3FAE]  }
0x2b: {  	s6 =	sld [smem:$0x3FAF]  }
0x2c: {  	s7 =	sld [smem:$0x3FB0]  }
0x2d: {  	s3 =	simm.s32 $0x108;
	s8 =	sld [smem:$0x3FB1]  }
0x2e: {  	s3 =	simm.s32 @!p0 $0x1082;
	s9 =	sld [smem:$0x3FB2]  }
0x2f: {  	lr =	sadd.s32 s0, s3;
	s0 =	sld [smem:$0x3FA9]  }
0x30: {  	s3 =	sld [smem:$0x3FAC]  }
0x31: {  	[smem:$0x3FB5] =	sst s10  }
0x32: {  	s10 =	sld [smem:$0x3FB3];
	_ =	sdelay $0x3  }
0x33: {  	p0 =	seq.s32 s10, $0x1;
	s10 =	sld [smem:$0x3FB5];
	_ =	sdelay $0x3  }
0x34: {  	[smem:$0x3FB5] =	sst s10  }
0x35: {  	s10 =	sld [smem:$0x3FB4];
	_ =	sdelay $0x3  }
0x36: {  	p1 =	seq.s32 s10, $0x1;
	s10 =	sld [smem:$0x3FB5];
	_ =	sdelay $0x3  }
0x37: {  	[smem:$0x3FB5] =	sst s10  }
0x38: {  	s10 =	sld [smem:$0x3FB6]  }
0x39: {  	_ = 	snop;
	(pc) =	sbr.ind lr, $3  }
0x3a: {  	_ = 	snop  }
0x3b: {  	_ = 	snop  }
0x3c: {  	p2 =	seq.s32 s10, $0x1;
	s10 =	sld [smem:$0x3FB5]  }
0x3d: {  	_ =	shalt  }
0x3e: {  	_ =	shalt  }
0x3f: {  	_ =	shalt  }
0x40: {  	_ =	shalt  }
0x41: {  	_ =	shalt  }
0x42: {  	_ =	shalt  }
0x43: {  	_ =	shalt  }
0x44: {  	_ =	shalt  }
0x45: {  	_ =	shalt  }
0x46: {  	_ =	shalt  }
0x47: {  	_ =	shalt  }
0x48: {  	_ =	shalt  }
0x49: {  	_ =	shalt  }
0x4a: {  	_ =	shalt  }
0x4b: {  	_ =	shalt  }
0x4c: {  	_ =	shalt  }
0x4d: {  	_ =	shalt  }
0x4e: {  	_ =	shalt  }
0x4f: {  	_ =	shalt  }
0x50: {  	_ =	shalt  }
0x51: {  	_ =	shalt  }
0x52: {  	_ =	shalt  }
0x53: {  	_ =	shalt  }
0x54: {  	_ =	shalt  }
0x55: {  	_ =	shalt  }
0x56: {  	_ =	shalt  }
0x57: {  	_ =	shalt  }
0x58: {  	_ =	shalt  }
0x59: {  	_ =	shalt  }
0x5a: {  	_ =	shalt  }
0x5b: {  	_ =	shalt  }
0x5c: {  	_ =	shalt  }
0x5d: {  	_ =	shalt  }
0x5e: {  	_ =	shalt  }
0x5f: {  	_ =	shalt  }
0x60: {  	_ =	shalt  }
0x61: {  	_ =	shalt  }
0x62: {  	_ =	shalt  }
0x63: {  	_ =	shalt  }
0x64: {  	_ =	shalt  }
0x65: {  	_ =	shalt  }
0x66: {  	_ =	shalt  }
0x67: {  	_ =	shalt  }
0x68: {  	_ =	shalt  }
0x69: {  	_ =	shalt  }
0x6a: {  	_ =	shalt  }
0x6b: {  	_ =	shalt  }
0x6c: {  	_ =	shalt  }
0x6d: {  	_ =	shalt  }
0x6e: {  	_ =	shalt  }
0x6f: {  	_ =	shalt  }
0x70: {  	_ =	shalt  }
0x71: {  	_ =	shalt  }
0x72: {  	_ =	shalt  }
0x73: {  	_ =	shalt  }
0x74: {  	_ =	shalt  }
0x75: {  	_ =	shalt  }
0x76: {  	_ =	shalt  }
0x77: {  	_ =	shalt  }
0x78: {  	_ =	shalt  }
0x79: {  	_ =	shalt  }
0x7a: {  	_ =	shalt  }
0x7b: {  	_ =	shalt  }
0x7c: {  	_ =	shalt  }
0x7d: {  	_ =	shalt  }
0x7e: {  	_ =	shalt  }
0x7f: {  	_ =	shalt  }
0x80: {  	_ =	shalt  }
0x81: {  	_ =	shalt  }
0x82: {  	_ =	shalt  }
0x83: {  	_ =	shalt  }
0x84: {  	_ =	shalt  }
0x85: {  	_ =	shalt  }
0x86: {  	_ =	shalt  }
0x87: {  	_ =	shalt  }
.Lfunc_end0:
.L_simem_size_0:
called_computation_lowered:
.L_overlay_start_0:
0x88: {  	s2 =	sld [smem:$0x3FD9]  }
0x89: {  	s3 =	sld [smem:$0x3FFE];
	_ =	sdelay $0x1  }
0x8a: {  	s1 =	srdreg.scid  }
0x8b: {  	s0 =	sand.u32 $0x1, s1  }
0x8c: {  	s16 =	sshll.u32 s0, $0xA;
	s2 =	sadd.s32 s3, s2  }
0x8d: {  	s2 =	sadd.s32 s2, s16  }
0x8e: {  	[smem:$0x3FC1] =	sst s2  }
0x8f: {  	_ = 	snop  }
0x90: {  	(tm) =	ssettm $0x1  }
0x91: {  	s17 =	sld [smem:$0x3FFB];
	_ =	sdelay $0x3  }
0x92: {  	_ =	strace s17  }
0x93: {  	s2 =	sld [smem:$0x3FFC];
	_ =	sdelay $0x3  }
0x94: {  	_ =	strace s2  }
0x95: {  	s2 =	sld [smem:$0x3FFD];
	_ =	sdelay $0x3  }
0x96: {  	_ =	strace s2  }
0x97: {  	_ =	strace $0x8FFFFFFF  }
0x98: {  	s18 =	sld [smem:$0x3FDB];
	_ =	sdelay $0x1  }
0x99: {  	s19 =	simm.s32 $_scs_section_size  }
0x9a: {  	s4 =	simm.s32 $_size__tile_overlayer_lowered;
	s5 =	simm.s32 $_tile_overlayer_lowered  }
0x9b: {  	s22 =	simm.s32 $0x1BFF;
	s21 =	sshll.u32 s5, $0x1;
	s2 =	sadd.s32 s19, s18  }
0x9c: {  	s6 =	simm.s32 $0x0;
	s20 =	sshll.u32 s4, $0x1;
	s4 =	sadd.s32 s21, s2  }
0x9d: {  	[timem:s6], [sflag:s22] =	dma.local [hbm:s4], s20  }
0x9e: {  	_ =	swait.ge [sflag:s22], s20  }
0x9f: {  	s3 =	ssub.s32 $0x0, s20;
	[sflag:s22] =	ssyncset.done $0x0  }
0xa0: {  	[sflag:s22] =	ssyncadd.s32 s3;
	_ =	sdelay $0x1  }
0xa1: {  	s23 =	simm.s32 $0x1B8B  }
0xa2: {  	_ =	swait.ge [sflag:s23], $0x1  }
0xa3: {  	[sflag:s23] =	ssyncset.done $0x0  }
0xa4: {  	s25 =	simm.s32 $0x1B8E;
	s24 =	sld [smem:$0x3FFE];
	[sflag:s23] =	ssyncadd.s32 $0xFFFFFFFF  }
0xa5: {  	s26 =	simm.s32 $execute0_lowered;
	[smem:$0x3FD2] =	sst s25  }
0xa6: {  	s4 =	sshll.u32 s26, $0x1;
	_ =	strace $0x80000046;
	[dreg:$0x1] =	wrdreg $0xFFFFFFFF  }
0xa7: {  	s28 =	simm.s32 $_size_execute0_lowered;
	s2 =	sadd.s32 s2, s4;
	[dreg:$0x0] =	wrdreg $0x0  }
0xa8: {  	s4 =	sshll.u32 s28, $0x1;
	[dreg:$0x2] =	wrdreg s2  }
0xa9: {  	[dreg:$0x3] =	wrdreg s4  }
0xaa: {  	[dreg:$0x4] =	wrdreg $0xC0  }
0xab: {  	_ =	task [dreg:s6], $0x5FFFF  }
0xac: {  	[dreg:$0x1] =	wrdreg $0xFFFFFFFF  }
0xad: {  	[dreg:$0x0] =	wrdreg $0x60  }
0xae: {  	[dreg:$0x2] =	wrdreg s24  }
0xaf: {  	[dreg:$0x3] =	wrdreg $0x9  }
0xb0: {  	_ =	task.clear_ibuf [dreg:s6], $0x4FFFF;
	_ =	strace $0x90000046  }
0xb1: {  	s29 =	simm.s32 $0x9;
	_ =	strace $0x80000048  }
0xb2: {  	_ =	swait.ge [sflag:s29], $0x1  }
0xb3: {  	[sflag:s29] =	ssyncadd.s32 $0xFFFFFFFF  }
0xb4: {  	_ =	strace $0x90000048  }
0xb5: {  	_ =	sfence  }
0xb6: {  	s30 =	sld [smem:$0x0];
	_ =	sdelay $0x2  }
0xb7: {  	s31 =	sshll.u32 s1, $0xD;
	s1 =	sshrl.u32 s1, $0x2  }
0xb8: {  	s3 =	sand.u32 $0x4000, s31;
	s1 =	sadd.s32 s1, s30  }
0xb9: {  	s0 =	sor.u32 s3, s0;
	s1 =	sshll.u32 s1, $0x11  }
0xba: {  	s0 =	sor.u32 s1, s0  }
0xbb: {  	s0 =	sadd.s32 $0x8F2B, s0  }
0xbc: {  	[sflag:s0] =	ssyncadd.remote.s32 $0x1  }
0xbd: {  	_ =	sfence.sel $0xFFFF  }
0xbe: {  	[dreg:$0x0] =	wrdreg $0xFFFFFFFF;
	(pc) =	sbr.abs _section_cstart, $3  }
0xbf: {  	[dreg:$0x1] =	wrdreg $0xFFFFFFFF  }
0xc0: {  	_ =	task.clear_ibuf [dreg:s6], $0x2FFFF;
	_ =	strace $0x9FFFFFFF  }
0xc1: {  	(tm) =	ssettm $0x7FFFFFFF  }
tec
execute0_lowered:
.L_overlay_start_1:
0x0: {  	(tag) =	ssettag $0x1  }
0x1: {  	s4 =	srdreg.scid  }
0x2: {  	s4 =	sand.u32 $0x1, s4  }
0x3: {  	s1 =	stileid.u32;
	s6 =	ssub.s32 $0x2, s4  }
0x4: {  	s3 =	rddreg [dreg:$0x0];
	s5 =	sshll.u32 s1, $0x6;
	s31 =	sshrl.u32 s6, $0x1  }
0x5: {  	s2 =	simm.s32 $0x0;
	s3 =	sadd.s32 s5, s3;
	s5 =	ssub.s32 s6, s31  }
0x6: {  	v0 =	vimm.f32 $0.0e+00;
	[smem:$0x7FF] =	sst s2;
	s5 =	smax.u32 s5, $0x1  }
0x7: {  	s0 =	rddreg [dreg:$0x1];
	_ =	strace $0x80000047;
	[tilespmem:$0x0] =	vst v0;
	p0 =	sne.s32 s5, $0x1  }
.Ltmp0:
0x8: {  	s4 =	sshll.u32 s4, $0xA;
	[tilespmem:$0x180] =	vst v0;
	(pc) =	sbr.rel @!p0 .LBB2_2-.Ltmp0, $4  }
0x9: {  	[tilespmem:$0x100] =	vst v0;
	s3 =	sadd.s32 s4, s3  }
0xa: {  	[tilespmem:$0x80] =	vst v0;
	s4 =	simm.s32 $0x1;
	s3 =	sadd.s32 $0x200, s3  }
0xb: {  	[hbm4b:s3+s2] =	stream.linear.scatter [tilespmem:s2], [sflag:$0x1], $0x200, $0x38;
	[tilespmem:$0x200] =	vst v63  }
0xc: {  	_ =	swait.ge [sflag:s4], $0x200;
	s5 =	sadd.s32 $0xFFFFFFFF, s5  }
.LBB2_1:
0xd: {  	p0 =	sne.s32 s5, $0x1;
	[sflag:s4] =	ssyncset.done $0x0  }
0xe: {  	[sflag:s4] =	ssyncadd.s32 $0xFFFFFE00  }
.Ltmp1:
0xf: {  	[tilespmem:$0x0] =	vst v0;
	(pc) =	sbr.rel @p0 .LBB2_1-.Ltmp1, $4  }
0x10: {  	[tilespmem:$0x180] =	vst v0  }
0x11: {  	[tilespmem:$0x100] =	vst v0  }
0x12: {  	[tilespmem:$0x80] =	vst v0;
	[hbm4b:s3+s2] =	stream.linear.scatter [tilespmem:s2], [sflag:$0x1], $0x200, $0x38  }
0x13: {  	s5 =	sadd.s32 $0xFFFFFFFF, s5;
	_ =	swait.ge [sflag:s4], $0x200  }
.LBB2_2:
0x14: {  	[sflag:s4] =	ssyncset.done $0x0  }
0x15: {  	[sflag:s4] =	ssyncadd.s32 $0xFFFFFE00  }
0x16: {  	_ =	sfence.sel $0x180000  }
0x17: {  	[bflag:$0x0] =	sbarrier.arrive $0xFFFF  }
0x18: {  	p0 =	sne.s32 s1, $0x0;
	_ =	strace $0x90000047  }
0x19: {  	s0 =	sadd.s32 @!p0 $0x100000, s0;
	[bflag:$0x2] =	sbarrier.arrive $0xFFFF  }
0x1a: {  	[sflag:s0] =	ssyncadd.tile.s32 @!p0 $0x1;
	_ =	shalt  }
.Lfunc_end2:
_tile_overlayer_lowered:
.L_overlay_start_2:
0x1b: {  	(tag) =	ssettag $0x2  }
0x1c: {  	s0 =	rddreg [dreg:$0x0];
	s2 =	stileid.u32  }
0x1d: {  	s1 =	rddreg [dreg:$0x1];
	p0 =	sne.s32 s2, $0x0  }
0x1e: {  	s3 =	rddreg [dreg:$0x2];
	[bflag:$0x3] =	sbarrier.arrive $0xFFFF;
	s2 =	simm.s32 @!p0 $0x1C01  }
0x1f: {  	[timem:s3], [sflag:s2] =	dma.local @!p0 [hbm:s0], s1  }
0x20: {  	s0 =	simm.s32 @!p0 $0x1  }
0x21: {  	_ =	swait.ge @!p0 [sflag:s0], s1  }
0x22: {  	s1 =	ssub.s32 @!p0 $0x0, s1;
	[sflag:s0] =	ssyncset.done @!p0 $0x0  }
0x23: {  	[sflag:s0] =	ssyncadd.s32 @!p0 s1  }
0x24: {  	[bflag:$0x3] =	sbarrier.arrive $0xFFFF  }
0x25: {  	_ =	shalt  }

</sc_bundles>
